<compile_context>
chip_gen: v7x
topology: tpu7x:2x2x1
jax: 0.10.2.dev20260603
libtpu: 0.0.44.dev20260713+nightly
codegen_flags: <defaults>
</compile_context>

<pallas_src>
import jax
import jax.numpy as jnp
from jax import lax
from jax.experimental import pallas as pl
from jax.experimental.pallas import tpu as pltpu
from jax.experimental.pallas import tpu_sc as plsc

BATCH = 16384
SEQ = 200
HIDDEN = 128

NUM_CORES = 2
NUM_SUBCORES = 16
NUM_WORKERS = NUM_CORES * NUM_SUBCORES

PREFIX_ROWS = 200
TOTAL = BATCH * SEQ
PER_WORKER = TOTAL // NUM_WORKERS
CHUNK = 128
STEPS = PER_WORKER // CHUNK
NBUF = 5
SUPER = STEPS // NBUF


def _sc_gather(idx_hbm, table_hbm, out_hbm, table_sh, idx_v, rows_v, gsems, wsems):
    sid = lax.axis_index("s")
    wid = sid * NUM_CORES + lax.axis_index("c")
    base = wid * PER_WORKER

    @pl.when(sid == 0)
    def _():
        pltpu.sync_copy(table_hbm, table_sh)

    plsc.subcore_barrier()

    def fire_gather(b, g):
        off = base + g * CHUNK
        pltpu.sync_copy(idx_hbm.at[pl.ds(off, CHUNK)], idx_v[b])
        pltpu.async_copy(table_sh.at[idx_v[b]], rows_v[b], gsems[b])

    def wait_gather(b):
        pltpu.make_async_copy(table_sh.at[idx_v[b]], rows_v[b], gsems[b]).wait()

    def fire_write(b, g):
        off = base + g * CHUNK
        pltpu.async_copy(rows_v[b], out_hbm.at[pl.ds(off, CHUNK)], wsems[b])

    def wait_write(b, g):
        off = base + g * CHUNK
        pltpu.make_async_copy(
            rows_v[b], out_hbm.at[pl.ds(off, CHUNK)], wsems[b]
        ).wait()

    for b in range(NBUF):
        fire_gather(b, b)

    def sstep(s, _):
        g0 = s * NBUF
        for b in range(NBUF):
            wait_gather(b)
            fire_write(b, g0 + b)
        for b in range(NBUF):
            h = g0 + NBUF + b

            @pl.when(h < STEPS)
            def _():
                wait_write(b, g0 + b)
                fire_gather(b, h)

        return ()

    lax.fori_loop(0, SUPER, sstep, ())

    for b in range(NBUF):
        wait_write(b, STEPS - NBUF + b)


@jax.jit
def kernel(prefix, table):
    idx = prefix.reshape(TOTAL).astype(jnp.int32)
    mesh = plsc.VectorSubcoreMesh(core_axis_name="c", subcore_axis_name="s")
    run = pl.kernel(
        _sc_gather,
        out_type=jax.ShapeDtypeStruct((TOTAL, HIDDEN), jnp.float32),
        mesh=mesh,
        scratch_types=[
            pltpu.VMEM_SHARED((PREFIX_ROWS, HIDDEN), jnp.float32),
            [pltpu.VMEM((CHUNK,), jnp.int32) for _ in range(NBUF)],
            [pltpu.VMEM((CHUNK, HIDDEN), jnp.float32) for _ in range(NBUF)],
            [pltpu.SemaphoreType.DMA for _ in range(NBUF)],
            [pltpu.SemaphoreType.DMA for _ in range(NBUF)],
        ],
    )
    out = run(idx, table)
    return out.reshape(BATCH, SEQ, HIDDEN)

# --- scband reference (transcript-rebuilt; emitter-appended) ---
"""Pipeline reference for scband-prefix-encoder-42185168782063 (READ-ONLY COPY).

The authoritative reference and input builder live on the scoring server;
editing this copy changes nothing except your own understanding.
"""

import jax, jax.numpy as jnp
import numpy as np

PREFIX_LEN = 200
HIDDEN = 128
BATCH = 16384
SEQ = 200

def setup_inputs(seed: int = 0) -> dict:
    key = jax.random.key(seed)
    k1, k2 = jax.random.split(key)
    prefix = jax.random.randint(k1, (BATCH, SEQ), 0, PREFIX_LEN, dtype=jnp.int64)
    table = jax.random.normal(k2, (PREFIX_LEN, HIDDEN), dtype=jnp.float32)
    return {"prefix": prefix, "table": table}

def reference(prefix, table):
    # prefix_projection = False: plain embedding lookup followed by dropout
    # (dropout p=0.0 / eval mode -> identity)
    prompt_output = jnp.take(table, prefix, axis=0)
    return prompt_output

if __name__ == "__main__":
    import jax
    _d = setup_inputs()
    print(jax.jit(kernel)(*tuple(_d.values())))

</pallas_src>

<mosaic_0001>
#map = affine_map<(d0, d1) -> (0)>
#map1 = affine_map<(d0, d1) -> (0, 0)>
module attributes {stable_mosaic.version = 14 : i64} {
  func.func @_sc_gather(%arg0: i32, %arg1: i32, %arg2: memref<3276800xi32, #tpu.memory_space<hbm>>, %arg3: memref<200x128xf32, #tpu.memory_space<hbm>>, %arg4: memref<3276800x128xf32, #tpu.memory_space<hbm>>, %arg5: memref<200x128xf32, #tpu.memory_space<vmem_shared>>, %arg6: memref<128xi32, #tpu.memory_space<vmem>>, %arg7: memref<128xi32, #tpu.memory_space<vmem>>, %arg8: memref<128xi32, #tpu.memory_space<vmem>>, %arg9: memref<128xi32, #tpu.memory_space<vmem>>, %arg10: memref<128xi32, #tpu.memory_space<vmem>>, %arg11: memref<128x128xf32, #tpu.memory_space<vmem>>, %arg12: memref<128x128xf32, #tpu.memory_space<vmem>>, %arg13: memref<128x128xf32, #tpu.memory_space<vmem>>, %arg14: memref<128x128xf32, #tpu.memory_space<vmem>>, %arg15: memref<128x128xf32, #tpu.memory_space<vmem>>, %arg16: memref<!tpu.dma_semaphore, #tpu.memory_space<semaphore_mem>>, %arg17: memref<!tpu.dma_semaphore, #tpu.memory_space<semaphore_mem>>, %arg18: memref<!tpu.dma_semaphore, #tpu.memory_space<semaphore_mem>>, %arg19: memref<!tpu.dma_semaphore, #tpu.memory_space<semaphore_mem>>, %arg20: memref<!tpu.dma_semaphore, #tpu.memory_space<semaphore_mem>>, %arg21: memref<!tpu.dma_semaphore, #tpu.memory_space<semaphore_mem>>, %arg22: memref<!tpu.dma_semaphore, #tpu.memory_space<semaphore_mem>>, %arg23: memref<!tpu.dma_semaphore, #tpu.memory_space<semaphore_mem>>, %arg24: memref<!tpu.dma_semaphore, #tpu.memory_space<semaphore_mem>>, %arg25: memref<!tpu.dma_semaphore, #tpu.memory_space<semaphore_mem>>) attributes {dimension_semantics = [#tpu.dimension_semantics<core_parallel>, #tpu.dimension_semantics<subcore_parallel>], iteration_bounds = array<i64: 2, 16>, scalar_prefetch = 0 : i64, scratch_operands = 21 : i64, tpu.core_type = #tpu.core_type<sc_vector_subcore>, window_params = [{transform_indices = #map}, {transform_indices = #map1}, {transform_indices = #map1}]} {
    %mul3A = arith.constant 2 : i32
    %mul3A_0 = arith.muli %arg1, %mul3A : i32
    %add3A = arith.addi %mul3A_0, %arg0 : i32
    %mul3A_1 = arith.constant 102400 : i32
    %mul3A_2 = arith.muli %add3A, %mul3A_1 : i32
    %eq3A = arith.constant 0 : i32
    %eq3A_3 = arith.cmpi eq, %arg1, %eq3A : i32
    %convert_element_type3A = arith.extui %eq3A_3 : i1 to i32
    %cond3A = arith.constant 0 : i32
    %cond3A_4 = arith.cmpi ne, %convert_element_type3A, %cond3A : i32
    scf.if %cond3A_4 {
      "tpu.region"() ({
        %run_scoped3A = tpu.sem_alloc : memref<!tpu.dma_semaphore, #tpu.memory_space<semaphore_mem>>
        tpu.enqueue_dma source(%arg3 : memref<200x128xf32, #tpu.memory_space<hbm>>) target(%arg5 : memref<200x128xf32, #tpu.memory_space<vmem_shared>>) target_semaphore(%run_scoped3A : memref<!tpu.dma_semaphore, #tpu.memory_space<semaphore_mem>>)
        tpu.wait_dma2 semaphore(%run_scoped3A : memref<!tpu.dma_semaphore, #tpu.memory_space<semaphore_mem>>) src(%arg3 : memref<200x128xf32, #tpu.memory_space<hbm>>) dst(%arg5 : memref<200x128xf32, #tpu.memory_space<vmem_shared>>)
        tpu.yield
      }) : () -> ()
    } else {
    }
    %barrier3A = arith.constant 0 : index
    tpu.barrier barrier_id(%barrier3A)
    %add3A_5 = arith.constant 0 : i32
    %add3A_6 = arith.addi %mul3A_2, %add3A_5 : i32
    "tpu.region"() ({
      %run_scoped3A = tpu.sem_alloc : memref<!tpu.dma_semaphore, #tpu.memory_space<semaphore_mem>>
      %dma_start3A_62 = tpu.memref_slice %arg2[%add3A_6] : memref<3276800xi32, #tpu.memory_space<hbm>> -> memref<128xi32, #tpu.memory_space<hbm>>
      %dma_start3A_63 = tpu.memref_slice %arg2[%add3A_6] : memref<3276800xi32, #tpu.memory_space<hbm>> -> memref<128xi32, #tpu.memory_space<hbm>>
      tpu.enqueue_dma source(%dma_start3A_63 : memref<128xi32, #tpu.memory_space<hbm>>) target(%arg6 : memref<128xi32, #tpu.memory_space<vmem>>) target_semaphore(%run_scoped3A : memref<!tpu.dma_semaphore, #tpu.memory_space<semaphore_mem>>)
      %dma_wait3A_64 = tpu.memref_slice %arg2[%add3A_6] : memref<3276800xi32, #tpu.memory_space<hbm>> -> memref<128xi32, #tpu.memory_space<hbm>>
      %dma_wait3A_65 = tpu.memref_slice %arg2[%add3A_6] : memref<3276800xi32, #tpu.memory_space<hbm>> -> memref<128xi32, #tpu.memory_space<hbm>>
      tpu.wait_dma2 semaphore(%run_scoped3A : memref<!tpu.dma_semaphore, #tpu.memory_space<semaphore_mem>>) src(%dma_wait3A_65 : memref<128xi32, #tpu.memory_space<hbm>>) dst(%arg6 : memref<128xi32, #tpu.memory_space<vmem>>)
      tpu.yield
    }) : () -> ()
    %dma_start3A = arith.constant 0 : i32
    %dma_start3A_7 = arith.constant 0 : i32
    %dma_start3A_8 = tpu.memref_slice %arg5[%dma_start3A, %dma_start3A_7] : memref<200x128xf32, #tpu.memory_space<vmem_shared>> -> memref<200x128xf32, #tpu.memory_space<vmem_shared>>
    tpu.enqueue_indirect_dma source(%dma_start3A_8 : memref<200x128xf32, #tpu.memory_space<vmem_shared>>) target(%arg11 : memref<128x128xf32, #tpu.memory_space<vmem>>) offsets(%arg6 : memref<128xi32, #tpu.memory_space<vmem>>) semaphore(%arg16 : memref<!tpu.dma_semaphore, #tpu.memory_space<semaphore_mem>>)
    %add3A_9 = arith.constant 128 : i32
    %add3A_10 = arith.addi %mul3A_2, %add3A_9 : i32
    "tpu.region"() ({
      %run_scoped3A = tpu.sem_alloc : memref<!tpu.dma_semaphore, #tpu.memory_space<semaphore_mem>>
      %dma_start3A_62 = tpu.memref_slice %arg2[%add3A_10] : memref<3276800xi32, #tpu.memory_space<hbm>> -> memref<128xi32, #tpu.memory_space<hbm>>
      %dma_start3A_63 = tpu.memref_slice %arg2[%add3A_10] : memref<3276800xi32, #tpu.memory_space<hbm>> -> memref<128xi32, #tpu.memory_space<hbm>>
      tpu.enqueue_dma source(%dma_start3A_63 : memref<128xi32, #tpu.memory_space<hbm>>) target(%arg7 : memref<128xi32, #tpu.memory_space<vmem>>) target_semaphore(%run_scoped3A : memref<!tpu.dma_semaphore, #tpu.memory_space<semaphore_mem>>)
      %dma_wait3A_64 = tpu.memref_slice %arg2[%add3A_10] : memref<3276800xi32, #tpu.memory_space<hbm>> -> memref<128xi32, #tpu.memory_space<hbm>>
      %dma_wait3A_65 = tpu.memref_slice %arg2[%add3A_10] : memref<3276800xi32, #tpu.memory_space<hbm>> -> memref<128xi32, #tpu.memory_space<hbm>>
      tpu.wait_dma2 semaphore(%run_scoped3A : memref<!tpu.dma_semaphore, #tpu.memory_space<semaphore_mem>>) src(%dma_wait3A_65 : memref<128xi32, #tpu.memory_space<hbm>>) dst(%arg7 : memref<128xi32, #tpu.memory_space<vmem>>)
      tpu.yield
    }) : () -> ()
    %dma_start3A_11 = arith.constant 0 : i32
    %dma_start3A_12 = arith.constant 0 : i32
    %dma_start3A_13 = tpu.memref_slice %arg5[%dma_start3A_11, %dma_start3A_12] : memref<200x128xf32, #tpu.memory_space<vmem_shared>> -> memref<200x128xf32, #tpu.memory_space<vmem_shared>>
    tpu.enqueue_indirect_dma source(%dma_start3A_13 : memref<200x128xf32, #tpu.memory_space<vmem_shared>>) target(%arg12 : memref<128x128xf32, #tpu.memory_space<vmem>>) offsets(%arg7 : memref<128xi32, #tpu.memory_space<vmem>>) semaphore(%arg17 : memref<!tpu.dma_semaphore, #tpu.memory_space<semaphore_mem>>)
    %add3A_14 = arith.constant 256 : i32
    %add3A_15 = arith.addi %mul3A_2, %add3A_14 : i32
    "tpu.region"() ({
      %run_scoped3A = tpu.sem_alloc : memref<!tpu.dma_semaphore, #tpu.memory_space<semaphore_mem>>
      %dma_start3A_62 = tpu.memref_slice %arg2[%add3A_15] : memref<3276800xi32, #tpu.memory_space<hbm>> -> memref<128xi32, #tpu.memory_space<hbm>>
      %dma_start3A_63 = tpu.memref_slice %arg2[%add3A_15] : memref<3276800xi32, #tpu.memory_space<hbm>> -> memref<128xi32, #tpu.memory_space<hbm>>
      tpu.enqueue_dma source(%dma_start3A_63 : memref<128xi32, #tpu.memory_space<hbm>>) target(%arg8 : memref<128xi32, #tpu.memory_space<vmem>>) target_semaphore(%run_scoped3A : memref<!tpu.dma_semaphore, #tpu.memory_space<semaphore_mem>>)
      %dma_wait3A_64 = tpu.memref_slice %arg2[%add3A_15] : memref<3276800xi32, #tpu.memory_space<hbm>> -> memref<128xi32, #tpu.memory_space<hbm>>
      %dma_wait3A_65 = tpu.memref_slice %arg2[%add3A_15] : memref<3276800xi32, #tpu.memory_space<hbm>> -> memref<128xi32, #tpu.memory_space<hbm>>
      tpu.wait_dma2 semaphore(%run_scoped3A : memref<!tpu.dma_semaphore, #tpu.memory_space<semaphore_mem>>) src(%dma_wait3A_65 : memref<128xi32, #tpu.memory_space<hbm>>) dst(%arg8 : memref<128xi32, #tpu.memory_space<vmem>>)
      tpu.yield
    }) : () -> ()
    %dma_start3A_16 = arith.constant 0 : i32
    %dma_start3A_17 = arith.constant 0 : i32
    %dma_start3A_18 = tpu.memref_slice %arg5[%dma_start3A_16, %dma_start3A_17] : memref<200x128xf32, #tpu.memory_space<vmem_shared>> -> memref<200x128xf32, #tpu.memory_space<vmem_shared>>
    tpu.enqueue_indirect_dma source(%dma_start3A_18 : memref<200x128xf32, #tpu.memory_space<vmem_shared>>) target(%arg13 : memref<128x128xf32, #tpu.memory_space<vmem>>) offsets(%arg8 : memref<128xi32, #tpu.memory_space<vmem>>) semaphore(%arg18 : memref<!tpu.dma_semaphore, #tpu.memory_space<semaphore_mem>>)
    %add3A_19 = arith.constant 384 : i32
    %add3A_20 = arith.addi %mul3A_2, %add3A_19 : i32
    "tpu.region"() ({
      %run_scoped3A = tpu.sem_alloc : memref<!tpu.dma_semaphore, #tpu.memory_space<semaphore_mem>>
      %dma_start3A_62 = tpu.memref_slice %arg2[%add3A_20] : memref<3276800xi32, #tpu.memory_space<hbm>> -> memref<128xi32, #tpu.memory_space<hbm>>
      %dma_start3A_63 = tpu.memref_slice %arg2[%add3A_20] : memref<3276800xi32, #tpu.memory_space<hbm>> -> memref<128xi32, #tpu.memory_space<hbm>>
      tpu.enqueue_dma source(%dma_start3A_63 : memref<128xi32, #tpu.memory_space<hbm>>) target(%arg9 : memref<128xi32, #tpu.memory_space<vmem>>) target_semaphore(%run_scoped3A : memref<!tpu.dma_semaphore, #tpu.memory_space<semaphore_mem>>)
      %dma_wait3A_64 = tpu.memref_slice %arg2[%add3A_20] : memref<3276800xi32, #tpu.memory_space<hbm>> -> memref<128xi32, #tpu.memory_space<hbm>>
      %dma_wait3A_65 = tpu.memref_slice %arg2[%add3A_20] : memref<3276800xi32, #tpu.memory_space<hbm>> -> memref<128xi32, #tpu.memory_space<hbm>>
      tpu.wait_dma2 semaphore(%run_scoped3A : memref<!tpu.dma_semaphore, #tpu.memory_space<semaphore_mem>>) src(%dma_wait3A_65 : memref<128xi32, #tpu.memory_space<hbm>>) dst(%arg9 : memref<128xi32, #tpu.memory_space<vmem>>)
      tpu.yield
    }) : () -> ()
    %dma_start3A_21 = arith.constant 0 : i32
    %dma_start3A_22 = arith.constant 0 : i32
    %dma_start3A_23 = tpu.memref_slice %arg5[%dma_start3A_21, %dma_start3A_22] : memref<200x128xf32, #tpu.memory_space<vmem_shared>> -> memref<200x128xf32, #tpu.memory_space<vmem_shared>>
    tpu.enqueue_indirect_dma source(%dma_start3A_23 : memref<200x128xf32, #tpu.memory_space<vmem_shared>>) target(%arg14 : memref<128x128xf32, #tpu.memory_space<vmem>>) offsets(%arg9 : memref<128xi32, #tpu.memory_space<vmem>>) semaphore(%arg19 : memref<!tpu.dma_semaphore, #tpu.memory_space<semaphore_mem>>)
    %add3A_24 = arith.constant 512 : i32
    %add3A_25 = arith.addi %mul3A_2, %add3A_24 : i32
    "tpu.region"() ({
      %run_scoped3A = tpu.sem_alloc : memref<!tpu.dma_semaphore, #tpu.memory_space<semaphore_mem>>
      %dma_start3A_62 = tpu.memref_slice %arg2[%add3A_25] : memref<3276800xi32, #tpu.memory_space<hbm>> -> memref<128xi32, #tpu.memory_space<hbm>>
      %dma_start3A_63 = tpu.memref_slice %arg2[%add3A_25] : memref<3276800xi32, #tpu.memory_space<hbm>> -> memref<128xi32, #tpu.memory_space<hbm>>
      tpu.enqueue_dma source(%dma_start3A_63 : memref<128xi32, #tpu.memory_space<hbm>>) target(%arg10 : memref<128xi32, #tpu.memory_space<vmem>>) target_semaphore(%run_scoped3A : memref<!tpu.dma_semaphore, #tpu.memory_space<semaphore_mem>>)
      %dma_wait3A_64 = tpu.memref_slice %arg2[%add3A_25] : memref<3276800xi32, #tpu.memory_space<hbm>> -> memref<128xi32, #tpu.memory_space<hbm>>
      %dma_wait3A_65 = tpu.memref_slice %arg2[%add3A_25] : memref<3276800xi32, #tpu.memory_space<hbm>> -> memref<128xi32, #tpu.memory_space<hbm>>
      tpu.wait_dma2 semaphore(%run_scoped3A : memref<!tpu.dma_semaphore, #tpu.memory_space<semaphore_mem>>) src(%dma_wait3A_65 : memref<128xi32, #tpu.memory_space<hbm>>) dst(%arg10 : memref<128xi32, #tpu.memory_space<vmem>>)
      tpu.yield
    }) : () -> ()
    %dma_start3A_26 = arith.constant 0 : i32
    %dma_start3A_27 = arith.constant 0 : i32
    %dma_start3A_28 = tpu.memref_slice %arg5[%dma_start3A_26, %dma_start3A_27] : memref<200x128xf32, #tpu.memory_space<vmem_shared>> -> memref<200x128xf32, #tpu.memory_space<vmem_shared>>
    tpu.enqueue_indirect_dma source(%dma_start3A_28 : memref<200x128xf32, #tpu.memory_space<vmem_shared>>) target(%arg15 : memref<128x128xf32, #tpu.memory_space<vmem>>) offsets(%arg10 : memref<128xi32, #tpu.memory_space<vmem>>) semaphore(%arg20 : memref<!tpu.dma_semaphore, #tpu.memory_space<semaphore_mem>>)
    %scan3A = arith.constant 0 : i32
    %scan3A_29 = arith.constant 160 : i32
    %scan3A_30 = arith.addi %scan3A, %scan3A_29 : i32
    %scan3A_31 = arith.constant 1 : i32
    scf.for %scan3A_62 = %scan3A to %scan3A_30 step %scan3A_31  : i32 {
      %mul3A_63 = arith.constant 5 : i32
      %mul3A_64 = arith.muli %scan3A_62, %mul3A_63 : i32
      %dma_wait3A_65 = arith.constant 0 : i32
      %dma_wait3A_66 = arith.constant 0 : i32
      %dma_wait3A_67 = tpu.memref_slice %arg5[%dma_wait3A_65, %dma_wait3A_66] : memref<200x128xf32, #tpu.memory_space<vmem_shared>> -> memref<200x128xf32, #tpu.memory_space<vmem_shared>>
      tpu.wait_indirect_dma semaphore(%arg16 : memref<!tpu.dma_semaphore, #tpu.memory_space<semaphore_mem>>) src(%dma_wait3A_67 : memref<200x128xf32, #tpu.memory_space<vmem_shared>>) dst(%arg11 : memref<128x128xf32, #tpu.memory_space<vmem>>)
      %add3A_68 = arith.constant 0 : i32
      %add3A_69 = arith.addi %mul3A_64, %add3A_68 : i32
      %mul3A_70 = arith.constant 128 : i32
      %mul3A_71 = arith.muli %add3A_69, %mul3A_70 : i32
      %add3A_72 = arith.addi %mul3A_2, %mul3A_71 : i32
      %dma_start3A_73 = arith.constant 0 : i32
      %dma_start3A_74 = tpu.memref_slice %arg4[%add3A_72, %dma_start3A_73] : memref<3276800x128xf32, #tpu.memory_space<hbm>> -> memref<128x128xf32, #tpu.memory_space<hbm>>
      %dma_start3A_75 = arith.constant 0 : i32
      %dma_start3A_76 = tpu.memref_slice %arg4[%add3A_72, %dma_start3A_75] : memref<3276800x128xf32, #tpu.memory_space<hbm>> -> memref<128x128xf32, #tpu.memory_space<hbm>>
      tpu.enqueue_dma source(%arg11 : memref<128x128xf32, #tpu.memory_space<vmem>>) target(%dma_start3A_76 : memref<128x128xf32, #tpu.memory_space<hbm>>) target_semaphore(%arg21 : memref<!tpu.dma_semaphore, #tpu.memory_space<semaphore_mem>>)
      %dma_wait3A_77 = arith.constant 0 : i32
      %dma_wait3A_78 = arith.constant 0 : i32
      %dma_wait3A_79 = tpu.memref_slice %arg5[%dma_wait3A_77, %dma_wait3A_78] : memref<200x128xf32, #tpu.memory_space<vmem_shared>> -> memref<200x128xf32, #tpu.memory_space<vmem_shared>>
      tpu.wait_indirect_dma semaphore(%arg17 : memref<!tpu.dma_semaphore, #tpu.memory_space<semaphore_mem>>) src(%dma_wait3A_79 : memref<200x128xf32, #tpu.memory_space<vmem_shared>>) dst(%arg12 : memref<128x128xf32, #tpu.memory_space<vmem>>)
      %add3A_80 = arith.constant 1 : i32
      %add3A_81 = arith.addi %mul3A_64, %add3A_80 : i32
      %mul3A_82 = arith.constant 128 : i32
      %mul3A_83 = arith.muli %add3A_81, %mul3A_82 : i32
      %add3A_84 = arith.addi %mul3A_2, %mul3A_83 : i32
      %dma_start3A_85 = arith.constant 0 : i32
      %dma_start3A_86 = tpu.memref_slice %arg4[%add3A_84, %dma_start3A_85] : memref<3276800x128xf32, #tpu.memory_space<hbm>> -> memref<128x128xf32, #tpu.memory_space<hbm>>
      %dma_start3A_87 = arith.constant 0 : i32
      %dma_start3A_88 = tpu.memref_slice %arg4[%add3A_84, %dma_start3A_87] : memref<3276800x128xf32, #tpu.memory_space<hbm>> -> memref<128x128xf32, #tpu.memory_space<hbm>>
      tpu.enqueue_dma source(%arg12 : memref<128x128xf32, #tpu.memory_space<vmem>>) target(%dma_start3A_88 : memref<128x128xf32, #tpu.memory_space<hbm>>) target_semaphore(%arg22 : memref<!tpu.dma_semaphore, #tpu.memory_space<semaphore_mem>>)
      %dma_wait3A_89 = arith.constant 0 : i32
      %dma_wait3A_90 = arith.constant 0 : i32
      %dma_wait3A_91 = tpu.memref_slice %arg5[%dma_wait3A_89, %dma_wait3A_90] : memref<200x128xf32, #tpu.memory_space<vmem_shared>> -> memref<200x128xf32, #tpu.memory_space<vmem_shared>>
      tpu.wait_indirect_dma semaphore(%arg18 : memref<!tpu.dma_semaphore, #tpu.memory_space<semaphore_mem>>) src(%dma_wait3A_91 : memref<200x128xf32, #tpu.memory_space<vmem_shared>>) dst(%arg13 : memref<128x128xf32, #tpu.memory_space<vmem>>)
      %add3A_92 = arith.constant 2 : i32
      %add3A_93 = arith.addi %mul3A_64, %add3A_92 : i32
      %mul3A_94 = arith.constant 128 : i32
      %mul3A_95 = arith.muli %add3A_93, %mul3A_94 : i32
      %add3A_96 = arith.addi %mul3A_2, %mul3A_95 : i32
      %dma_start3A_97 = arith.constant 0 : i32
      %dma_start3A_98 = tpu.memref_slice %arg4[%add3A_96, %dma_start3A_97] : memref<3276800x128xf32, #tpu.memory_space<hbm>> -> memref<128x128xf32, #tpu.memory_space<hbm>>
      %dma_start3A_99 = arith.constant 0 : i32
      %dma_start3A_100 = tpu.memref_slice %arg4[%add3A_96, %dma_start3A_99] : memref<3276800x128xf32, #tpu.memory_space<hbm>> -> memref<128x128xf32, #tpu.memory_space<hbm>>
      tpu.enqueue_dma source(%arg13 : memref<128x128xf32, #tpu.memory_space<vmem>>) target(%dma_start3A_100 : memref<128x128xf32, #tpu.memory_space<hbm>>) target_semaphore(%arg23 : memref<!tpu.dma_semaphore, #tpu.memory_space<semaphore_mem>>)
      %dma_wait3A_101 = arith.constant 0 : i32
      %dma_wait3A_102 = arith.constant 0 : i32
      %dma_wait3A_103 = tpu.memref_slice %arg5[%dma_wait3A_101, %dma_wait3A_102] : memref<200x128xf32, #tpu.memory_space<vmem_shared>> -> memref<200x128xf32, #tpu.memory_space<vmem_shared>>
      tpu.wait_indirect_dma semaphore(%arg19 : memref<!tpu.dma_semaphore, #tpu.memory_space<semaphore_mem>>) src(%dma_wait3A_103 : memref<200x128xf32, #tpu.memory_space<vmem_shared>>) dst(%arg14 : memref<128x128xf32, #tpu.memory_space<vmem>>)
      %add3A_104 = arith.constant 3 : i32
      %add3A_105 = arith.addi %mul3A_64, %add3A_104 : i32
      %mul3A_106 = arith.constant 128 : i32
      %mul3A_107 = arith.muli %add3A_105, %mul3A_106 : i32
      %add3A_108 = arith.addi %mul3A_2, %mul3A_107 : i32
      %dma_start3A_109 = arith.constant 0 : i32
      %dma_start3A_110 = tpu.memref_slice %arg4[%add3A_108, %dma_start3A_109] : memref<3276800x128xf32, #tpu.memory_space<hbm>> -> memref<128x128xf32, #tpu.memory_space<hbm>>
      %dma_start3A_111 = arith.constant 0 : i32
      %dma_start3A_112 = tpu.memref_slice %arg4[%add3A_108, %dma_start3A_111] : memref<3276800x128xf32, #tpu.memory_space<hbm>> -> memref<128x128xf32, #tpu.memory_space<hbm>>
      tpu.enqueue_dma source(%arg14 : memref<128x128xf32, #tpu.memory_space<vmem>>) target(%dma_start3A_112 : memref<128x128xf32, #tpu.memory_space<hbm>>) target_semaphore(%arg24 : memref<!tpu.dma_semaphore, #tpu.memory_space<semaphore_mem>>)
      %dma_wait3A_113 = arith.constant 0 : i32
      %dma_wait3A_114 = arith.constant 0 : i32
      %dma_wait3A_115 = tpu.memref_slice %arg5[%dma_wait3A_113, %dma_wait3A_114] : memref<200x128xf32, #tpu.memory_space<vmem_shared>> -> memref<200x128xf32, #tpu.memory_space<vmem_shared>>
      tpu.wait_indirect_dma semaphore(%arg20 : memref<!tpu.dma_semaphore, #tpu.memory_space<semaphore_mem>>) src(%dma_wait3A_115 : memref<200x128xf32, #tpu.memory_space<vmem_shared>>) dst(%arg15 : memref<128x128xf32, #tpu.memory_space<vmem>>)
      %add3A_116 = arith.constant 4 : i32
      %add3A_117 = arith.addi %mul3A_64, %add3A_116 : i32
      %mul3A_118 = arith.constant 128 : i32
      %mul3A_119 = arith.muli %add3A_117, %mul3A_118 : i32
      %add3A_120 = arith.addi %mul3A_2, %mul3A_119 : i32
      %dma_start3A_121 = arith.constant 0 : i32
      %dma_start3A_122 = tpu.memref_slice %arg4[%add3A_120, %dma_start3A_121] : memref<3276800x128xf32, #tpu.memory_space<hbm>> -> memref<128x128xf32, #tpu.memory_space<hbm>>
      %dma_start3A_123 = arith.constant 0 : i32
      %dma_start3A_124 = tpu.memref_slice %arg4[%add3A_120, %dma_start3A_123] : memref<3276800x128xf32, #tpu.memory_space<hbm>> -> memref<128x128xf32, #tpu.memory_space<hbm>>
      tpu.enqueue_dma source(%arg15 : memref<128x128xf32, #tpu.memory_space<vmem>>) target(%dma_start3A_124 : memref<128x128xf32, #tpu.memory_space<hbm>>) target_semaphore(%arg25 : memref<!tpu.dma_semaphore, #tpu.memory_space<semaphore_mem>>)
      %add3A_125 = arith.constant 5 : i32
      %add3A_126 = arith.addi %mul3A_64, %add3A_125 : i32
      %add3A_127 = arith.constant 0 : i32
      %add3A_128 = arith.addi %add3A_126, %add3A_127 : i32
      %lt3A = arith.constant 800 : i32
      %lt3A_129 = arith.cmpi slt, %add3A_128, %lt3A : i32
      %convert_element_type3A_130 = arith.extui %lt3A_129 : i1 to i32
      %cond3A_131 = arith.constant 0 : i32
      %cond3A_132 = arith.cmpi ne, %convert_element_type3A_130, %cond3A_131 : i32
      scf.if %cond3A_132 {
        %add3A_169 = arith.constant 0 : i32
        %add3A_170 = arith.addi %mul3A_64, %add3A_169 : i32
        %mul3A_171 = arith.constant 128 : i32
        %mul3A_172 = arith.muli %add3A_170, %mul3A_171 : i32
        %add3A_173 = arith.addi %mul3A_2, %mul3A_172 : i32
        %dma_wait3A_174 = arith.constant 0 : i32
        %dma_wait3A_175 = tpu.memref_slice %arg4[%add3A_173, %dma_wait3A_174] : memref<3276800x128xf32, #tpu.memory_space<hbm>> -> memref<128x128xf32, #tpu.memory_space<hbm>>
        %dma_wait3A_176 = arith.constant 0 : i32
        %dma_wait3A_177 = tpu.memref_slice %arg4[%add3A_173, %dma_wait3A_176] : memref<3276800x128xf32, #tpu.memory_space<hbm>> -> memref<128x128xf32, #tpu.memory_space<hbm>>
        tpu.wait_dma2 semaphore(%arg21 : memref<!tpu.dma_semaphore, #tpu.memory_space<semaphore_mem>>) src(%arg11 : memref<128x128xf32, #tpu.memory_space<vmem>>) dst(%dma_wait3A_177 : memref<128x128xf32, #tpu.memory_space<hbm>>)
        %mul3A_178 = arith.constant 128 : i32
        %mul3A_179 = arith.muli %add3A_128, %mul3A_178 : i32
        %add3A_180 = arith.addi %mul3A_2, %mul3A_179 : i32
        "tpu.region"() ({
          %run_scoped3A = tpu.sem_alloc : memref<!tpu.dma_semaphore, #tpu.memory_space<semaphore_mem>>
          %dma_start3A_184 = tpu.memref_slice %arg2[%add3A_180] : memref<3276800xi32, #tpu.memory_space<hbm>> -> memref<128xi32, #tpu.memory_space<hbm>>
          %dma_start3A_185 = tpu.memref_slice %arg2[%add3A_180] : memref<3276800xi32, #tpu.memory_space<hbm>> -> memref<128xi32, #tpu.memory_space<hbm>>
          tpu.enqueue_dma source(%dma_start3A_185 : memref<128xi32, #tpu.memory_space<hbm>>) target(%arg6 : memref<128xi32, #tpu.memory_space<vmem>>) target_semaphore(%run_scoped3A : memref<!tpu.dma_semaphore, #tpu.memory_space<semaphore_mem>>)
          %dma_wait3A_186 = tpu.memref_slice %arg2[%add3A_180] : memref<3276800xi32, #tpu.memory_space<hbm>> -> memref<128xi32, #tpu.memory_space<hbm>>
          %dma_wait3A_187 = tpu.memref_slice %arg2[%add3A_180] : memref<3276800xi32, #tpu.memory_space<hbm>> -> memref<128xi32, #tpu.memory_space<hbm>>
          tpu.wait_dma2 semaphore(%run_scoped3A : memref<!tpu.dma_semaphore, #tpu.memory_space<semaphore_mem>>) src(%dma_wait3A_187 : memref<128xi32, #tpu.memory_space<hbm>>) dst(%arg6 : memref<128xi32, #tpu.memory_space<vmem>>)
          tpu.yield
        }) : () -> ()
        %dma_start3A_181 = arith.constant 0 : i32
        %dma_start3A_182 = arith.constant 0 : i32
        %dma_start3A_183 = tpu.memref_slice %arg5[%dma_start3A_181, %dma_start3A_182] : memref<200x128xf32, #tpu.memory_space<vmem_shared>> -> memref<200x128xf32, #tpu.memory_space<vmem_shared>>
        tpu.enqueue_indirect_dma source(%dma_start3A_183 : memref<200x128xf32, #tpu.memory_space<vmem_shared>>) target(%arg11 : memref<128x128xf32, #tpu.memory_space<vmem>>) offsets(%arg6 : memref<128xi32, #tpu.memory_space<vmem>>) semaphore(%arg16 : memref<!tpu.dma_semaphore, #tpu.memory_space<semaphore_mem>>)
      } else {
      }
      %add3A_133 = arith.constant 5 : i32
      %add3A_134 = arith.addi %mul3A_64, %add3A_133 : i32
      %add3A_135 = arith.constant 1 : i32
      %add3A_136 = arith.addi %add3A_134, %add3A_135 : i32
      %lt3A_137 = arith.constant 800 : i32
      %lt3A_138 = arith.cmpi slt, %add3A_136, %lt3A_137 : i32
      %convert_element_type3A_139 = arith.extui %lt3A_138 : i1 to i32
      %cond3A_140 = arith.constant 0 : i32
      %cond3A_141 = arith.cmpi ne, %convert_element_type3A_139, %cond3A_140 : i32
      scf.if %cond3A_141 {
        %add3A_169 = arith.constant 1 : i32
        %add3A_170 = arith.addi %mul3A_64, %add3A_169 : i32
        %mul3A_171 = arith.constant 128 : i32
        %mul3A_172 = arith.muli %add3A_170, %mul3A_171 : i32
        %add3A_173 = arith.addi %mul3A_2, %mul3A_172 : i32
        %dma_wait3A_174 = arith.constant 0 : i32
        %dma_wait3A_175 = tpu.memref_slice %arg4[%add3A_173, %dma_wait3A_174] : memref<3276800x128xf32, #tpu.memory_space<hbm>> -> memref<128x128xf32, #tpu.memory_space<hbm>>
        %dma_wait3A_176 = arith.constant 0 : i32
        %dma_wait3A_177 = tpu.memref_slice %arg4[%add3A_173, %dma_wait3A_176] : memref<3276800x128xf32, #tpu.memory_space<hbm>> -> memref<128x128xf32, #tpu.memory_space<hbm>>
        tpu.wait_dma2 semaphore(%arg22 : memref<!tpu.dma_semaphore, #tpu.memory_space<semaphore_mem>>) src(%arg12 : memref<128x128xf32, #tpu.memory_space<vmem>>) dst(%dma_wait3A_177 : memref<128x128xf32, #tpu.memory_space<hbm>>)
        %mul3A_178 = arith.constant 128 : i32
        %mul3A_179 = arith.muli %add3A_136, %mul3A_178 : i32
        %add3A_180 = arith.addi %mul3A_2, %mul3A_179 : i32
        "tpu.region"() ({
          %run_scoped3A = tpu.sem_alloc : memref<!tpu.dma_semaphore, #tpu.memory_space<semaphore_mem>>
          %dma_start3A_184 = tpu.memref_slice %arg2[%add3A_180] : memref<3276800xi32, #tpu.memory_space<hbm>> -> memref<128xi32, #tpu.memory_space<hbm>>
          %dma_start3A_185 = tpu.memref_slice %arg2[%add3A_180] : memref<3276800xi32, #tpu.memory_space<hbm>> -> memref<128xi32, #tpu.memory_space<hbm>>
          tpu.enqueue_dma source(%dma_start3A_185 : memref<128xi32, #tpu.memory_space<hbm>>) target(%arg7 : memref<128xi32, #tpu.memory_space<vmem>>) target_semaphore(%run_scoped3A : memref<!tpu.dma_semaphore, #tpu.memory_space<semaphore_mem>>)
          %dma_wait3A_186 = tpu.memref_slice %arg2[%add3A_180] : memref<3276800xi32, #tpu.memory_space<hbm>> -> memref<128xi32, #tpu.memory_space<hbm>>
          %dma_wait3A_187 = tpu.memref_slice %arg2[%add3A_180] : memref<3276800xi32, #tpu.memory_space<hbm>> -> memref<128xi32, #tpu.memory_space<hbm>>
          tpu.wait_dma2 semaphore(%run_scoped3A : memref<!tpu.dma_semaphore, #tpu.memory_space<semaphore_mem>>) src(%dma_wait3A_187 : memref<128xi32, #tpu.memory_space<hbm>>) dst(%arg7 : memref<128xi32, #tpu.memory_space<vmem>>)
          tpu.yield
        }) : () -> ()
        %dma_start3A_181 = arith.constant 0 : i32
        %dma_start3A_182 = arith.constant 0 : i32
        %dma_start3A_183 = tpu.memref_slice %arg5[%dma_start3A_181, %dma_start3A_182] : memref<200x128xf32, #tpu.memory_space<vmem_shared>> -> memref<200x128xf32, #tpu.memory_space<vmem_shared>>
        tpu.enqueue_indirect_dma source(%dma_start3A_183 : memref<200x128xf32, #tpu.memory_space<vmem_shared>>) target(%arg12 : memref<128x128xf32, #tpu.memory_space<vmem>>) offsets(%arg7 : memref<128xi32, #tpu.memory_space<vmem>>) semaphore(%arg17 : memref<!tpu.dma_semaphore, #tpu.memory_space<semaphore_mem>>)
      } else {
      }
      %add3A_142 = arith.constant 5 : i32
      %add3A_143 = arith.addi %mul3A_64, %add3A_142 : i32
      %add3A_144 = arith.constant 2 : i32
      %add3A_145 = arith.addi %add3A_143, %add3A_144 : i32
      %lt3A_146 = arith.constant 800 : i32
      %lt3A_147 = arith.cmpi slt, %add3A_145, %lt3A_146 : i32
      %convert_element_type3A_148 = arith.extui %lt3A_147 : i1 to i32
      %cond3A_149 = arith.constant 0 : i32
      %cond3A_150 = arith.cmpi ne, %convert_element_type3A_148, %cond3A_149 : i32
      scf.if %cond3A_150 {
        %add3A_169 = arith.constant 2 : i32
        %add3A_170 = arith.addi %mul3A_64, %add3A_169 : i32
        %mul3A_171 = arith.constant 128 : i32
        %mul3A_172 = arith.muli %add3A_170, %mul3A_171 : i32
        %add3A_173 = arith.addi %mul3A_2, %mul3A_172 : i32
        %dma_wait3A_174 = arith.constant 0 : i32
        %dma_wait3A_175 = tpu.memref_slice %arg4[%add3A_173, %dma_wait3A_174] : memref<3276800x128xf32, #tpu.memory_space<hbm>> -> memref<128x128xf32, #tpu.memory_space<hbm>>
        %dma_wait3A_176 = arith.constant 0 : i32
        %dma_wait3A_177 = tpu.memref_slice %arg4[%add3A_173, %dma_wait3A_176] : memref<3276800x128xf32, #tpu.memory_space<hbm>> -> memref<128x128xf32, #tpu.memory_space<hbm>>
        tpu.wait_dma2 semaphore(%arg23 : memref<!tpu.dma_semaphore, #tpu.memory_space<semaphore_mem>>) src(%arg13 : memref<128x128xf32, #tpu.memory_space<vmem>>) dst(%dma_wait3A_177 : memref<128x128xf32, #tpu.memory_space<hbm>>)
        %mul3A_178 = arith.constant 128 : i32
        %mul3A_179 = arith.muli %add3A_145, %mul3A_178 : i32
        %add3A_180 = arith.addi %mul3A_2, %mul3A_179 : i32
        "tpu.region"() ({
          %run_scoped3A = tpu.sem_alloc : memref<!tpu.dma_semaphore, #tpu.memory_space<semaphore_mem>>
          %dma_start3A_184 = tpu.memref_slice %arg2[%add3A_180] : memref<3276800xi32, #tpu.memory_space<hbm>> -> memref<128xi32, #tpu.memory_space<hbm>>
          %dma_start3A_185 = tpu.memref_slice %arg2[%add3A_180] : memref<3276800xi32, #tpu.memory_space<hbm>> -> memref<128xi32, #tpu.memory_space<hbm>>
          tpu.enqueue_dma source(%dma_start3A_185 : memref<128xi32, #tpu.memory_space<hbm>>) target(%arg8 : memref<128xi32, #tpu.memory_space<vmem>>) target_semaphore(%run_scoped3A : memref<!tpu.dma_semaphore, #tpu.memory_space<semaphore_mem>>)
          %dma_wait3A_186 = tpu.memref_slice %arg2[%add3A_180] : memref<3276800xi32, #tpu.memory_space<hbm>> -> memref<128xi32, #tpu.memory_space<hbm>>
          %dma_wait3A_187 = tpu.memref_slice %arg2[%add3A_180] : memref<3276800xi32, #tpu.memory_space<hbm>> -> memref<128xi32, #tpu.memory_space<hbm>>
          tpu.wait_dma2 semaphore(%run_scoped3A : memref<!tpu.dma_semaphore, #tpu.memory_space<semaphore_mem>>) src(%dma_wait3A_187 : memref<128xi32, #tpu.memory_space<hbm>>) dst(%arg8 : memref<128xi32, #tpu.memory_space<vmem>>)
          tpu.yield
        }) : () -> ()
        %dma_start3A_181 = arith.constant 0 : i32
        %dma_start3A_182 = arith.constant 0 : i32
        %dma_start3A_183 = tpu.memref_slice %arg5[%dma_start3A_181, %dma_start3A_182] : memref<200x128xf32, #tpu.memory_space<vmem_shared>> -> memref<200x128xf32, #tpu.memory_space<vmem_shared>>
        tpu.enqueue_indirect_dma source(%dma_start3A_183 : memref<200x128xf32, #tpu.memory_space<vmem_shared>>) target(%arg13 : memref<128x128xf32, #tpu.memory_space<vmem>>) offsets(%arg8 : memref<128xi32, #tpu.memory_space<vmem>>) semaphore(%arg18 : memref<!tpu.dma_semaphore, #tpu.memory_space<semaphore_mem>>)
      } else {
      }
      %add3A_151 = arith.constant 5 : i32
      %add3A_152 = arith.addi %mul3A_64, %add3A_151 : i32
      %add3A_153 = arith.constant 3 : i32
      %add3A_154 = arith.addi %add3A_152, %add3A_153 : i32
      %lt3A_155 = arith.constant 800 : i32
      %lt3A_156 = arith.cmpi slt, %add3A_154, %lt3A_155 : i32
      %convert_element_type3A_157 = arith.extui %lt3A_156 : i1 to i32
      %cond3A_158 = arith.constant 0 : i32
      %cond3A_159 = arith.cmpi ne, %convert_element_type3A_157, %cond3A_158 : i32
      scf.if %cond3A_159 {
        %add3A_169 = arith.constant 3 : i32
        %add3A_170 = arith.addi %mul3A_64, %add3A_169 : i32
        %mul3A_171 = arith.constant 128 : i32
        %mul3A_172 = arith.muli %add3A_170, %mul3A_171 : i32
        %add3A_173 = arith.addi %mul3A_2, %mul3A_172 : i32
        %dma_wait3A_174 = arith.constant 0 : i32
        %dma_wait3A_175 = tpu.memref_slice %arg4[%add3A_173, %dma_wait3A_174] : memref<3276800x128xf32, #tpu.memory_space<hbm>> -> memref<128x128xf32, #tpu.memory_space<hbm>>
        %dma_wait3A_176 = arith.constant 0 : i32
        %dma_wait3A_177 = tpu.memref_slice %arg4[%add3A_173, %dma_wait3A_176] : memref<3276800x128xf32, #tpu.memory_space<hbm>> -> memref<128x128xf32, #tpu.memory_space<hbm>>
        tpu.wait_dma2 semaphore(%arg24 : memref<!tpu.dma_semaphore, #tpu.memory_space<semaphore_mem>>) src(%arg14 : memref<128x128xf32, #tpu.memory_space<vmem>>) dst(%dma_wait3A_177 : memref<128x128xf32, #tpu.memory_space<hbm>>)
        %mul3A_178 = arith.constant 128 : i32
        %mul3A_179 = arith.muli %add3A_154, %mul3A_178 : i32
        %add3A_180 = arith.addi %mul3A_2, %mul3A_179 : i32
        "tpu.region"() ({
          %run_scoped3A = tpu.sem_alloc : memref<!tpu.dma_semaphore, #tpu.memory_space<semaphore_mem>>
          %dma_start3A_184 = tpu.memref_slice %arg2[%add3A_180] : memref<3276800xi32, #tpu.memory_space<hbm>> -> memref<128xi32, #tpu.memory_space<hbm>>
          %dma_start3A_185 = tpu.memref_slice %arg2[%add3A_180] : memref<3276800xi32, #tpu.memory_space<hbm>> -> memref<128xi32, #tpu.memory_space<hbm>>
          tpu.enqueue_dma source(%dma_start3A_185 : memref<128xi32, #tpu.memory_space<hbm>>) target(%arg9 : memref<128xi32, #tpu.memory_space<vmem>>) target_semaphore(%run_scoped3A : memref<!tpu.dma_semaphore, #tpu.memory_space<semaphore_mem>>)
          %dma_wait3A_186 = tpu.memref_slice %arg2[%add3A_180] : memref<3276800xi32, #tpu.memory_space<hbm>> -> memref<128xi32, #tpu.memory_space<hbm>>
          %dma_wait3A_187 = tpu.memref_slice %arg2[%add3A_180] : memref<3276800xi32, #tpu.memory_space<hbm>> -> memref<128xi32, #tpu.memory_space<hbm>>
          tpu.wait_dma2 semaphore(%run_scoped3A : memref<!tpu.dma_semaphore, #tpu.memory_space<semaphore_mem>>) src(%dma_wait3A_187 : memref<128xi32, #tpu.memory_space<hbm>>) dst(%arg9 : memref<128xi32, #tpu.memory_space<vmem>>)
          tpu.yield
        }) : () -> ()
        %dma_start3A_181 = arith.constant 0 : i32
        %dma_start3A_182 = arith.constant 0 : i32
        %dma_start3A_183 = tpu.memref_slice %arg5[%dma_start3A_181, %dma_start3A_182] : memref<200x128xf32, #tpu.memory_space<vmem_shared>> -> memref<200x128xf32, #tpu.memory_space<vmem_shared>>
        tpu.enqueue_indirect_dma source(%dma_start3A_183 : memref<200x128xf32, #tpu.memory_space<vmem_shared>>) target(%arg14 : memref<128x128xf32, #tpu.memory_space<vmem>>) offsets(%arg9 : memref<128xi32, #tpu.memory_space<vmem>>) semaphore(%arg19 : memref<!tpu.dma_semaphore, #tpu.memory_space<semaphore_mem>>)
      } else {
      }
      %add3A_160 = arith.constant 5 : i32
      %add3A_161 = arith.addi %mul3A_64, %add3A_160 : i32
      %add3A_162 = arith.constant 4 : i32
      %add3A_163 = arith.addi %add3A_161, %add3A_162 : i32
      %lt3A_164 = arith.constant 800 : i32
      %lt3A_165 = arith.cmpi slt, %add3A_163, %lt3A_164 : i32
      %convert_element_type3A_166 = arith.extui %lt3A_165 : i1 to i32
      %cond3A_167 = arith.constant 0 : i32
      %cond3A_168 = arith.cmpi ne, %convert_element_type3A_166, %cond3A_167 : i32
      scf.if %cond3A_168 {
        %add3A_169 = arith.constant 4 : i32
        %add3A_170 = arith.addi %mul3A_64, %add3A_169 : i32
        %mul3A_171 = arith.constant 128 : i32
        %mul3A_172 = arith.muli %add3A_170, %mul3A_171 : i32
        %add3A_173 = arith.addi %mul3A_2, %mul3A_172 : i32
        %dma_wait3A_174 = arith.constant 0 : i32
        %dma_wait3A_175 = tpu.memref_slice %arg4[%add3A_173, %dma_wait3A_174] : memref<3276800x128xf32, #tpu.memory_space<hbm>> -> memref<128x128xf32, #tpu.memory_space<hbm>>
        %dma_wait3A_176 = arith.constant 0 : i32
        %dma_wait3A_177 = tpu.memref_slice %arg4[%add3A_173, %dma_wait3A_176] : memref<3276800x128xf32, #tpu.memory_space<hbm>> -> memref<128x128xf32, #tpu.memory_space<hbm>>
        tpu.wait_dma2 semaphore(%arg25 : memref<!tpu.dma_semaphore, #tpu.memory_space<semaphore_mem>>) src(%arg15 : memref<128x128xf32, #tpu.memory_space<vmem>>) dst(%dma_wait3A_177 : memref<128x128xf32, #tpu.memory_space<hbm>>)
        %mul3A_178 = arith.constant 128 : i32
        %mul3A_179 = arith.muli %add3A_163, %mul3A_178 : i32
        %add3A_180 = arith.addi %mul3A_2, %mul3A_179 : i32
        "tpu.region"() ({
          %run_scoped3A = tpu.sem_alloc : memref<!tpu.dma_semaphore, #tpu.memory_space<semaphore_mem>>
          %dma_start3A_184 = tpu.memref_slice %arg2[%add3A_180] : memref<3276800xi32, #tpu.memory_space<hbm>> -> memref<128xi32, #tpu.memory_space<hbm>>
          %dma_start3A_185 = tpu.memref_slice %arg2[%add3A_180] : memref<3276800xi32, #tpu.memory_space<hbm>> -> memref<128xi32, #tpu.memory_space<hbm>>
          tpu.enqueue_dma source(%dma_start3A_185 : memref<128xi32, #tpu.memory_space<hbm>>) target(%arg10 : memref<128xi32, #tpu.memory_space<vmem>>) target_semaphore(%run_scoped3A : memref<!tpu.dma_semaphore, #tpu.memory_space<semaphore_mem>>)
          %dma_wait3A_186 = tpu.memref_slice %arg2[%add3A_180] : memref<3276800xi32, #tpu.memory_space<hbm>> -> memref<128xi32, #tpu.memory_space<hbm>>
          %dma_wait3A_187 = tpu.memref_slice %arg2[%add3A_180] : memref<3276800xi32, #tpu.memory_space<hbm>> -> memref<128xi32, #tpu.memory_space<hbm>>
          tpu.wait_dma2 semaphore(%run_scoped3A : memref<!tpu.dma_semaphore, #tpu.memory_space<semaphore_mem>>) src(%dma_wait3A_187 : memref<128xi32, #tpu.memory_space<hbm>>) dst(%arg10 : memref<128xi32, #tpu.memory_space<vmem>>)
          tpu.yield
        }) : () -> ()
        %dma_start3A_181 = arith.constant 0 : i32
        %dma_start3A_182 = arith.constant 0 : i32
        %dma_start3A_183 = tpu.memref_slice %arg5[%dma_start3A_181, %dma_start3A_182] : memref<200x128xf32, #tpu.memory_space<vmem_shared>> -> memref<200x128xf32, #tpu.memory_space<vmem_shared>>
        tpu.enqueue_indirect_dma source(%dma_start3A_183 : memref<200x128xf32, #tpu.memory_space<vmem_shared>>) target(%arg15 : memref<128x128xf32, #tpu.memory_space<vmem>>) offsets(%arg10 : memref<128xi32, #tpu.memory_space<vmem>>) semaphore(%arg20 : memref<!tpu.dma_semaphore, #tpu.memory_space<semaphore_mem>>)
      } else {
      }
    }
    %scan3A_32 = arith.constant 160 : i32
    %add3A_33 = arith.constant 101760 : i32
    %add3A_34 = arith.addi %mul3A_2, %add3A_33 : i32
    %dma_wait3A = arith.constant 0 : i32
    %dma_wait3A_35 = tpu.memref_slice %arg4[%add3A_34, %dma_wait3A] : memref<3276800x128xf32, #tpu.memory_space<hbm>> -> memref<128x128xf32, #tpu.memory_space<hbm>>
    %dma_wait3A_36 = arith.constant 0 : i32
    %dma_wait3A_37 = tpu.memref_slice %arg4[%add3A_34, %dma_wait3A_36] : memref<3276800x128xf32, #tpu.memory_space<hbm>> -> memref<128x128xf32, #tpu.memory_space<hbm>>
    tpu.wait_dma2 semaphore(%arg21 : memref<!tpu.dma_semaphore, #tpu.memory_space<semaphore_mem>>) src(%arg11 : memref<128x128xf32, #tpu.memory_space<vmem>>) dst(%dma_wait3A_37 : memref<128x128xf32, #tpu.memory_space<hbm>>)
    %add3A_38 = arith.constant 101888 : i32
    %add3A_39 = arith.addi %mul3A_2, %add3A_38 : i32
    %dma_wait3A_40 = arith.constant 0 : i32
    %dma_wait3A_41 = tpu.memref_slice %arg4[%add3A_39, %dma_wait3A_40] : memref<3276800x128xf32, #tpu.memory_space<hbm>> -> memref<128x128xf32, #tpu.memory_space<hbm>>
    %dma_wait3A_42 = arith.constant 0 : i32
    %dma_wait3A_43 = tpu.memref_slice %arg4[%add3A_39, %dma_wait3A_42] : memref<3276800x128xf32, #tpu.memory_space<hbm>> -> memref<128x128xf32, #tpu.memory_space<hbm>>
    tpu.wait_dma2 semaphore(%arg22 : memref<!tpu.dma_semaphore, #tpu.memory_space<semaphore_mem>>) src(%arg12 : memref<128x128xf32, #tpu.memory_space<vmem>>) dst(%dma_wait3A_43 : memref<128x128xf32, #tpu.memory_space<hbm>>)
    %add3A_44 = arith.constant 102016 : i32
    %add3A_45 = arith.addi %mul3A_2, %add3A_44 : i32
    %dma_wait3A_46 = arith.constant 0 : i32
    %dma_wait3A_47 = tpu.memref_slice %arg4[%add3A_45, %dma_wait3A_46] : memref<3276800x128xf32, #tpu.memory_space<hbm>> -> memref<128x128xf32, #tpu.memory_space<hbm>>
    %dma_wait3A_48 = arith.constant 0 : i32
    %dma_wait3A_49 = tpu.memref_slice %arg4[%add3A_45, %dma_wait3A_48] : memref<3276800x128xf32, #tpu.memory_space<hbm>> -> memref<128x128xf32, #tpu.memory_space<hbm>>
    tpu.wait_dma2 semaphore(%arg23 : memref<!tpu.dma_semaphore, #tpu.memory_space<semaphore_mem>>) src(%arg13 : memref<128x128xf32, #tpu.memory_space<vmem>>) dst(%dma_wait3A_49 : memref<128x128xf32, #tpu.memory_space<hbm>>)
    %add3A_50 = arith.constant 102144 : i32
    %add3A_51 = arith.addi %mul3A_2, %add3A_50 : i32
    %dma_wait3A_52 = arith.constant 0 : i32
    %dma_wait3A_53 = tpu.memref_slice %arg4[%add3A_51, %dma_wait3A_52] : memref<3276800x128xf32, #tpu.memory_space<hbm>> -> memref<128x128xf32, #tpu.memory_space<hbm>>
    %dma_wait3A_54 = arith.constant 0 : i32
    %dma_wait3A_55 = tpu.memref_slice %arg4[%add3A_51, %dma_wait3A_54] : memref<3276800x128xf32, #tpu.memory_space<hbm>> -> memref<128x128xf32, #tpu.memory_space<hbm>>
    tpu.wait_dma2 semaphore(%arg24 : memref<!tpu.dma_semaphore, #tpu.memory_space<semaphore_mem>>) src(%arg14 : memref<128x128xf32, #tpu.memory_space<vmem>>) dst(%dma_wait3A_55 : memref<128x128xf32, #tpu.memory_space<hbm>>)
    %add3A_56 = arith.constant 102272 : i32
    %add3A_57 = arith.addi %mul3A_2, %add3A_56 : i32
    %dma_wait3A_58 = arith.constant 0 : i32
    %dma_wait3A_59 = tpu.memref_slice %arg4[%add3A_57, %dma_wait3A_58] : memref<3276800x128xf32, #tpu.memory_space<hbm>> -> memref<128x128xf32, #tpu.memory_space<hbm>>
    %dma_wait3A_60 = arith.constant 0 : i32
    %dma_wait3A_61 = tpu.memref_slice %arg4[%add3A_57, %dma_wait3A_60] : memref<3276800x128xf32, #tpu.memory_space<hbm>> -> memref<128x128xf32, #tpu.memory_space<hbm>>
    tpu.wait_dma2 semaphore(%arg25 : memref<!tpu.dma_semaphore, #tpu.memory_space<semaphore_mem>>) src(%arg15 : memref<128x128xf32, #tpu.memory_space<vmem>>) dst(%dma_wait3A_61 : memref<128x128xf32, #tpu.memory_space<hbm>>)
    return
  }
}

</mosaic_0001>

<sc_bundles>
// kernel: kernel.3.cloned.1.call-start
scs
__scs_entry_jumppad:
0x0: {  	(pc) =	sbr.rel $0x88, $3  }
0x1: {  	(tag) =	ssettag $0x0;
	lr =	simm.s32 $0x1  }
0x2: {  	[smem:$0x3F9F] =	sst lr;
	_ =	strace $0xD0000000  }
0x3: {  	_ = 	snop  }
0x4: {  	_ = 	snop  }
0x5: {  	_ = 	snop  }
0x6: {  	_ = 	snop  }
0x7: {  	_ = 	snop  }
__scs_overlays_trampoline_lowered:
0x8: {  	[smem:$0x3FAE] =	sst s0  }
0x9: {  	[smem:$0x3FAF] =	sst s1  }
0xa: {  	[smem:$0x3FB0] =	sst s2  }
0xb: {  	[smem:$0x3FB1] =	sst s3  }
0xc: {  	[smem:$0x3FB2] =	sst s4  }
0xd: {  	[smem:$0x3FB3] =	sst s5  }
0xe: {  	[smem:$0x3FB4] =	sst s6  }
0xf: {  	[smem:$0x3FB5] =	sst s7  }
0x10: {  	[smem:$0x3FB6] =	sst s8  }
0x11: {  	[smem:$0x3FB7] =	sst s9;
	s0 =	simm.s32 @!p0 $0x0  }
0x12: {  	s1 =	sld [smem:$0x3F9D];
	s0 =	simm.s32 @p0 $0x1  }
0x13: {  	[smem:$0x3FB8] =	sst s0;
	s0 =	simm.s32 @!p1 $0x0  }
0x14: {  	s2 =	sld [smem:$0x3F9C];
	s0 =	simm.s32 @p1 $0x1  }
0x15: {  	[smem:$0x3FB9] =	sst s0;
	s0 =	simm.s32 @!p2 $0x0  }
0x16: {  	s3 =	sld [smem:$0x3FDB];
	s0 =	simm.s32 @p2 $0x1  }
0x17: {  	s4 =	simm.s32 $0x1BF5;
	[smem:$0x3FBB] =	sst s0  }
0x18: {  	s0 =	sld [smem:$0x3F9E];
	_ =	swait.ge [sflag:s4], $0x0  }
0x19: {  	s7 =	sld [smem:$0x3F9F]  }
0x1a: {  	s8 =	sadd.s32 $0xFFFFE003, lr  }
0x1b: {  	s9 =	sadd.s32 $0xFFFFFEF7, lr;
	s5 =	simm.s32 $0xFFFFFFFF;
	p2 =	slt.u32 s8, $0xFFFFF086  }
0x1c: {  	p1 =	slt.u32 s9, $0xF7A;
	s5 =	simm.s32 @!p2 $0x0  }
0x1d: {  	s5 =	simm.s32 @p1 $0x1;
	p0 =	seq.s32 s7, s2  }
0x1e: {  	s7 =	smul.u32 @!p0 $0xF7A, s2;
	p2 =	seq.s32 @!p0 s5, $0x0  }
0x1f: {  	s9 =	smul.u32 $0xF7A, s1;
	s8 =	simm.s32 @!p0 $0x1BF5;
	p2 =	por !p2, p0  }
0x20: {  	[sflag:s8] =	ssyncset.s32 @!p0 $0xFFFFF086;
	s6 =	sadd.s32 @!p0 s3, s7;
	s7 =	simm.s32 @!p0 $0x108  }
0x21: {  	s3 =	sadd.s32 s3, s9;
	s6 =	sadd.s32 @!p0 $0x88, s6;
	s7 =	simm.s32 @p2 $0x1082  }
0x22: {  	[simem:s7], [sflag:s8] =	dma.local @!p0 [hbm:s6], $0xF7A  }
0x23: {  	s9 =	sor.u32 $0xD0000000, s2;
	s6 =	simm.s32 $0x108;
	_ =	swait.ge @!p0 [sflag:s8], $0x0  }
0x24: {  	s3 =	sadd.s32 $0x88, s3;
	s6 =	simm.s32 @!p1 $0x1082;
	[sflag:s4] =	ssyncset.s32 $0xFFFFF086  }
0x25: {  	[simem:s6], [sflag:s4] =	dma.local [hbm:s3], $0xF7A  }
0x26: {  	[smem:$0x3F9F] =	sst s1;
	(tag) =	ssettag s2;
	_ =	strace s9  }
0x27: {  	s1 =	sld [smem:$0x3FAF]  }
0x28: {  	s2 =	sld [smem:$0x3FB0]  }
0x29: {  	s4 =	sld [smem:$0x3FB2]  }
0x2a: {  	p0 =	seq.s32 s5, $0x0;
	s5 =	sld [smem:$0x3FB3]  }
0x2b: {  	s6 =	sld [smem:$0x3FB4]  }
0x2c: {  	s7 =	sld [smem:$0x3FB5]  }
0x2d: {  	s3 =	simm.s32 $0x108;
	s8 =	sld [smem:$0x3FB6]  }
0x2e: {  	s3 =	simm.s32 @!p0 $0x1082;
	s9 =	sld [smem:$0x3FB7]  }
0x2f: {  	lr =	sadd.s32 s0, s3;
	s0 =	sld [smem:$0x3FAE]  }
0x30: {  	s3 =	sld [smem:$0x3FB1]  }
0x31: {  	[smem:$0x3FBA] =	sst s10  }
0x32: {  	s10 =	sld [smem:$0x3FB8];
	_ =	sdelay $0x3  }
0x33: {  	p0 =	seq.s32 s10, $0x1;
	s10 =	sld [smem:$0x3FBA];
	_ =	sdelay $0x3  }
0x34: {  	[smem:$0x3FBA] =	sst s10  }
0x35: {  	s10 =	sld [smem:$0x3FB9];
	_ =	sdelay $0x3  }
0x36: {  	p1 =	seq.s32 s10, $0x1;
	s10 =	sld [smem:$0x3FBA];
	_ =	sdelay $0x3  }
0x37: {  	[smem:$0x3FBA] =	sst s10  }
0x38: {  	s10 =	sld [smem:$0x3FBB]  }
0x39: {  	_ = 	snop;
	(pc) =	sbr.ind lr, $3  }
0x3a: {  	_ = 	snop  }
0x3b: {  	_ = 	snop  }
0x3c: {  	p2 =	seq.s32 s10, $0x1;
	s10 =	sld [smem:$0x3FBA]  }
0x3d: {  	_ =	shalt  }
0x3e: {  	_ =	shalt  }
0x3f: {  	_ =	shalt  }
0x40: {  	_ =	shalt  }
0x41: {  	_ =	shalt  }
0x42: {  	_ =	shalt  }
0x43: {  	_ =	shalt  }
0x44: {  	_ =	shalt  }
0x45: {  	_ =	shalt  }
0x46: {  	_ =	shalt  }
0x47: {  	_ =	shalt  }
0x48: {  	_ =	shalt  }
0x49: {  	_ =	shalt  }
0x4a: {  	_ =	shalt  }
0x4b: {  	_ =	shalt  }
0x4c: {  	_ =	shalt  }
0x4d: {  	_ =	shalt  }
0x4e: {  	_ =	shalt  }
0x4f: {  	_ =	shalt  }
0x50: {  	_ =	shalt  }
0x51: {  	_ =	shalt  }
0x52: {  	_ =	shalt  }
0x53: {  	_ =	shalt  }
0x54: {  	_ =	shalt  }
0x55: {  	_ =	shalt  }
0x56: {  	_ =	shalt  }
0x57: {  	_ =	shalt  }
0x58: {  	_ =	shalt  }
0x59: {  	_ =	shalt  }
0x5a: {  	_ =	shalt  }
0x5b: {  	_ =	shalt  }
0x5c: {  	_ =	shalt  }
0x5d: {  	_ =	shalt  }
0x5e: {  	_ =	shalt  }
0x5f: {  	_ =	shalt  }
0x60: {  	_ =	shalt  }
0x61: {  	_ =	shalt  }
0x62: {  	_ =	shalt  }
0x63: {  	_ =	shalt  }
0x64: {  	_ =	shalt  }
0x65: {  	_ =	shalt  }
0x66: {  	_ =	shalt  }
0x67: {  	_ =	shalt  }
0x68: {  	_ =	shalt  }
0x69: {  	_ =	shalt  }
0x6a: {  	_ =	shalt  }
0x6b: {  	_ =	shalt  }
0x6c: {  	_ =	shalt  }
0x6d: {  	_ =	shalt  }
0x6e: {  	_ =	shalt  }
0x6f: {  	_ =	shalt  }
0x70: {  	_ =	shalt  }
0x71: {  	_ =	shalt  }
0x72: {  	_ =	shalt  }
0x73: {  	_ =	shalt  }
0x74: {  	_ =	shalt  }
0x75: {  	_ =	shalt  }
0x76: {  	_ =	shalt  }
0x77: {  	_ =	shalt  }
0x78: {  	_ =	shalt  }
0x79: {  	_ =	shalt  }
0x7a: {  	_ =	shalt  }
0x7b: {  	_ =	shalt  }
0x7c: {  	_ =	shalt  }
0x7d: {  	_ =	shalt  }
0x7e: {  	_ =	shalt  }
0x7f: {  	_ =	shalt  }
0x80: {  	_ =	shalt  }
0x81: {  	_ =	shalt  }
0x82: {  	_ =	shalt  }
0x83: {  	_ =	shalt  }
0x84: {  	_ =	shalt  }
0x85: {  	_ =	shalt  }
0x86: {  	_ =	shalt  }
0x87: {  	_ =	shalt  }
.Lfunc_end0:
.L_simem_size_0:
called_computation_lowered:
.L_overlay_start_0:
0x88: {  	s2 =	sld [smem:$0x3FD9]  }
0x89: {  	s3 =	sld [smem:$0x3FFE];
	_ =	sdelay $0x1  }
0x8a: {  	s1 =	srdreg.scid  }
0x8b: {  	s0 =	sand.u32 $0x1, s1  }
0x8c: {  	s17 =	sshll.u32 s0, $0xA;
	s2 =	sadd.s32 s3, s2  }
0x8d: {  	s2 =	sadd.s32 s2, s17  }
0x8e: {  	[smem:$0x3FC6] =	sst s2  }
0x8f: {  	_ = 	snop  }
0x90: {  	s2 =	sld [smem:$0x3FC8]  }
0x91: {  	s18 =	sld [smem:$0x3FD0];
	(tm) =	ssettm $0x1  }
0x92: {  	s4 =	sld [smem:$0x3FFB];
	_ =	sdelay $0x3  }
0x93: {  	_ =	strace s4  }
0x94: {  	s4 =	sld [smem:$0x3FFC];
	_ =	sdelay $0x3  }
0x95: {  	_ =	strace s4  }
0x96: {  	s4 =	sld [smem:$0x3FFD];
	_ =	sdelay $0x3  }
0x97: {  	_ =	strace s4  }
0x98: {  	_ =	strace $0x8FFFFFFF  }
0x99: {  	s19 =	sld [smem:$0x3FDB];
	_ =	sdelay $0x1  }
0x9a: {  	s5 =	simm.s32 $_scs_section_size  }
0x9b: {  	s6 =	simm.s32 $_size__tile_overlayer_lowered;
	s7 =	simm.s32 $_tile_overlayer_lowered  }
0x9c: {  	s22 =	simm.s32 $0x1BFF;
	s21 =	sshll.u32 s7, $0x1;
	s4 =	sadd.s32 s5, s19  }
0x9d: {  	s8 =	simm.s32 $0x0;
	s20 =	sshll.u32 s6, $0x1;
	s6 =	sadd.s32 s21, s4  }
0x9e: {  	[timem:s8], [sflag:s22] =	dma.local [hbm:s6], s20  }
0x9f: {  	_ =	swait.ge [sflag:s22], s20  }
0xa0: {  	s5 =	ssub.s32 $0x0, s20;
	[sflag:s22] =	ssyncset.done $0x0  }
0xa1: {  	[sflag:s22] =	ssyncadd.s32 s5;
	_ =	sdelay $0x1  }
0xa2: {  	s23 =	simm.s32 $0x1B8B  }
0xa3: {  	_ =	swait.ge [sflag:s23], $0x1  }
0xa4: {  	[sflag:s23] =	ssyncset.done $0x0  }
0xa5: {  	s25 =	simm.s32 $0x1B8E;
	s24 =	sld [smem:$0x3FFE];
	[sflag:s23] =	ssyncadd.s32 $0xFFFFFFFF  }
0xa6: {  	s26 =	simm.s32 $execute0_lowered;
	[smem:$0x3FD2] =	sst s25  }
0xa7: {  	s6 =	sshll.u32 s26, $0x1;
	_ =	strace $0x80000046;
	[dreg:$0x1] =	wrdreg $0xFFFFFFFF  }
0xa8: {  	s28 =	simm.s32 $_size_execute0_lowered;
	s4 =	sadd.s32 s4, s6;
	[dreg:$0x0] =	wrdreg $0x0  }
0xa9: {  	s6 =	sshll.u32 s28, $0x1;
	[dreg:$0x2] =	wrdreg s4  }
0xaa: {  	[dreg:$0x3] =	wrdreg s6  }
0xab: {  	[dreg:$0x4] =	wrdreg $0xC0  }
0xac: {  	_ =	task [dreg:s8], $0x5FFFF  }
0xad: {  	[dreg:$0x1] =	wrdreg $0xFFFFFFFF  }
0xae: {  	[dreg:$0x0] =	wrdreg $0x60  }
0xaf: {  	[dreg:$0x2] =	wrdreg s24  }
0xb0: {  	[dreg:$0x3] =	wrdreg s2  }
0xb1: {  	[dreg:$0x4] =	wrdreg s18  }
0xb2: {  	[dreg:$0x5] =	wrdreg $0x0  }
0xb3: {  	[dreg:$0x6] =	wrdreg $0x9  }
0xb4: {  	_ =	task.clear_ibuf [dreg:s8], $0x7FFFF;
	_ =	strace $0x90000046  }
0xb5: {  	s29 =	simm.s32 $0x9;
	_ =	strace $0x80000048  }
0xb6: {  	_ =	swait.ge [sflag:s29], $0x1  }
0xb7: {  	[sflag:s29] =	ssyncadd.s32 $0xFFFFFFFF  }
0xb8: {  	_ =	strace $0x90000048  }
0xb9: {  	_ =	sfence  }
0xba: {  	s30 =	sld [smem:$0x0];
	_ =	sdelay $0x2  }
0xbb: {  	s31 =	sshll.u32 s1, $0xD;
	s1 =	sshrl.u32 s1, $0x2  }
0xbc: {  	s3 =	sand.u32 $0x4000, s31;
	s1 =	sadd.s32 s1, s30  }
0xbd: {  	s0 =	sor.u32 s3, s0;
	s1 =	sshll.u32 s1, $0x11  }
0xbe: {  	s0 =	sor.u32 s1, s0  }
0xbf: {  	s0 =	sadd.s32 $0x8F2B, s0  }
0xc0: {  	[sflag:s0] =	ssyncadd.remote.s32 $0x1  }
0xc1: {  	_ =	sfence.sel $0xFFFF  }
0xc2: {  	[dreg:$0x0] =	wrdreg $0xFFFFFFFF;
	(pc) =	sbr.abs _section_cstart, $3  }
0xc3: {  	[dreg:$0x1] =	wrdreg $0xFFFFFFFF  }
0xc4: {  	_ =	task.clear_ibuf [dreg:s8], $0x2FFFF;
	_ =	strace $0x9FFFFFFF  }
0xc5: {  	(tm) =	ssettm $0x7FFFFFFF  }
tec
execute0_lowered:
.L_overlay_start_1:
0x0: {  	(tag) =	ssettag $0x1  }
0x1: {  	s0 =	rddreg [dreg:$0x0]  }
0x2: {  	s1 =	rddreg [dreg:$0x2];
	s3 =	srdreg.scid  }
0x3: {  	s4 =	stileid.u32;
	s2 =	rddreg [dreg:$0x3];
	s28 =	simm.s32 $0x840  }
0x4: {  	s29 =	simm.s32 $0x108C0;
	s30 =	simm.s32 $0x1;
	s31 =	simm.s32 $0x2  }
0x5: {  	s5 =	sand.u32 $0x1, s3;
	s6 =	sshll.u32 s4, $0x1;
	s8 =	smul.u32 $0x32000, s4  }
0x6: {  	s3 =	simm.s32 $0x0;
	s0 =	sadd.s32 $0x400, s0;
	s24 =	smul.u32 $0x320000, s4  }
0x7: {  	p0 =	sne.s32 s4, $0x0;
	s4 =	simm.s32 $0xA;
	s10 =	smul.u32 $0x19000, s5  }
0x8: {  	s6 =	sor.u32 s5, s6;
	s7 =	ssub.s32 $0x2, s5;
	s5 =	smul.u32 $0x190000, s5  }
0x9: {  	[smem:$0x7FF] =	sst s3;
	s6 =	smul.u32 $0x19000, s6;
	s9 =	sshrl.u32 s7, $0x1  }
0xa: {  	_ =	strace $0x80000047;
	s1 =	sadd.s32 s24, s1;
	s24 =	simm.s32 $0x88C0  }
0xb: {  	s7 =	ssub.s32 s7, s9;
	s15 =	sadd.s32 s10, s8;
	s1 =	sadd.s32 s5, s1  }
0xc: {  	s5 =	simm.s32 $0x5;
	s8 =	simm.s32 $0x8;
	s9 =	simm.s32 $0x9  }
0xd: {  	s6 =	sshrl.u32 s6, $0x3;
	s18 =	sor.u32 $0x480, s15;
	s7 =	smax.u32 s7, $0x1  }
0xe: {  	s20 =	sor.u32 $0x400, s15;
	s22 =	sor.u32 $0x380, s15;
	s25 =	sor.u32 $0x300, s15  }
0xf: {  	s26 =	sadd.s32 $0x2000, s1;
	s1 =	simm.s32 $0x3;
	s13 =	sadd.s32 s0, s6  }
0x10: {  	[dreg:$0xa] =	wrdreg s7;
	s19 =	sshrl.u32 s18, $0x3;
	s21 =	sshrl.u32 s20, $0x3  }
0x11: {  	s23 =	sshrl.u32 s22, $0x3;
	[dreg:$0xc] =	wrdreg s26;
	s18 =	simm.s32 $0xB  }
0x12: {  	s20 =	simm.s32 $0x8C0;
	s22 =	simm.s32 $0x48C0;
	s26 =	simm.s32 $0xC8C0  }
0x13: {  	s6 =	sadd.s32 $0x10, s13;
	s14 =	sadd.s32 $0x20, s13;
	[dreg:$0x5] =	wrdreg s13  }
0x14: {  	s16 =	sadd.s32 $0x30, s13;
	s17 =	sadd.s32 $0x40, s13;
	[dreg:$0x6] =	wrdreg s6  }
0x15: {  	s7 =	sadd.s32 s19, s0;
	s11 =	sadd.s32 s21, s0;
	[dreg:$0x7] =	wrdreg s14  }
0x16: {  	s12 =	sadd.s32 s23, s0;
	s19 =	simm.s32 $0x80;
	[dreg:$0x8] =	wrdreg s16  }
0x17: {  	s21 =	simm.s32 $0x6C0;
	s23 =	simm.s32 $0x740;
	[dreg:$0x9] =	wrdreg s17  }
.Ltmp0:
0x18: {  	[dreg:$0xb] =	wrdreg s7;
	s7 =	sshrl.u32 s25, $0x3;
	(pc) =	sbr.rel .LBB2_1-.Ltmp0, $4  }
0x19: {  	s6 =	sor.u32 $0x280, s15;
	s17 =	simm.s32 $0x640;
	s25 =	simm.s32 $0x7C0  }
0x1a: {  	s15 =	simm.s32 $0x0;
	s13 =	sadd.s32 s7, s0;
	s6 =	sshrl.u32 s6, $0x3  }
0x1b: {  	s7 =	simm.s32 $0x7;
	s14 =	sadd.s32 s6, s0;
	s0 =	sshrl.u32 @!p0 s2, $0x3  }
0x1c: {  	s6 =	simm.s32 $0x6;
	[dreg:$0xd] =	wrdreg s0;
	s0 =	simm.s32 $0x4  }
.LBB2_4:
0x1d: {  	_ =	swait.ge [sflag:s7], $0x4000  }
0x1e: {  	[sflag:s7] =	ssyncset.done $0x0  }
0x1f: {  	[sflag:s7] =	ssyncadd.s32 $0xFFFFC000  }
0x20: {  	_ =	swait.ge [sflag:s8], $0x4000  }
0x21: {  	[sflag:s8] =	ssyncset.done $0x0  }
0x22: {  	[sflag:s8] =	ssyncadd.s32 $0xFFFFC000  }
0x23: {  	_ =	swait.ge [sflag:s9], $0x4000  }
0x24: {  	[sflag:s9] =	ssyncset.done $0x0  }
0x25: {  	[sflag:s9] =	ssyncadd.s32 $0xFFFFC000  }
0x26: {  	_ =	swait.ge [sflag:s4], $0x4000  }
0x27: {  	s15 =	rddreg [dreg:$0xe]  }
0x28: {  	s10 =	rddreg [dreg:$0xa];
	s15 =	sadd.s32 $0x1, s15  }
0x29: {  	p1 =	sne.s32 s15, s10  }
.Ltmp1:
0x2a: {  	_ = 	snop;
	(pc) =	sbr.rel @!p1 .LBB2_5-.Ltmp1, $3  }
0x2b: {  	_ =	sdelay $0x1  }
0x2c: {  	[sflag:s4] =	ssyncset.done $0x0  }
0x2d: {  	[sflag:s4] =	ssyncadd.s32 $0xFFFFC000  }
.LBB2_1:
0x2e: {  	[dreg:$0xe] =	wrdreg s15  }
0x2f: {  	s10 =	rddreg [dreg:$0x1]  }
0x30: {  	s15 =	simm.s32 @!p0 $0x1C0B;
	s16 =	rddreg [dreg:$0xd]  }
0x31: {  	[spmem:s16], [sflag:s15] =	dma.local @!p0 [hbm:s10], $0xC80  }
0x32: {  	s15 =	simm.s32 @!p0 $0xB  }
0x33: {  	_ =	swait.ge @!p0 [sflag:s15], $0xC80  }
0x34: {  	[sflag:s15] =	ssyncset.done @!p0 $0x0  }
0x35: {  	[sflag:s15] =	ssyncadd.s32 @!p0 $0xFFFFF380  }
0x36: {  	[bflag:$0x0] =	sbarrier.arrive $0xFFFF  }
0x37: {  	s16 =	rddreg [dreg:$0x5]  }
0x38: {  	[tilespmem:s17], [sflag:$0xB] =	stream.linear.gather [hbm4b:s16+s3], $0x80, $0x38;
	[tilespmem:$0x148C0] =	vst v63  }
0x39: {  	_ =	swait.ge [sflag:s18], $0x80  }
0x3a: {  	[sflag:s18] =	ssyncset.done $0x0  }
0x3b: {  	[sflag:s18] =	ssyncadd.s32 $0xFFFFFF80  }
0x3c: {  	[tilespmem:s20], [sflag:$0x1] =	stream.indirect.gather [spmem:s2], $0x80, s17, s19, $0xb8;
	[tilespmem:$0x148C0] =	vst v63  }
0x3d: {  	s15 =	rddreg [dreg:$0x6]  }
0x3e: {  	[tilespmem:s21], [sflag:$0xB] =	stream.linear.gather [hbm4b:s15+s3], $0x80, $0x38;
	[tilespmem:$0x148C0] =	vst v63  }
0x3f: {  	_ =	swait.ge [sflag:s18], $0x80  }
0x40: {  	[sflag:s18] =	ssyncset.done $0x0  }
0x41: {  	[sflag:s18] =	ssyncadd.s32 $0xFFFFFF80  }
0x42: {  	[tilespmem:s22], [sflag:$0x2] =	stream.indirect.gather [spmem:s2], $0x80, s21, s19, $0xb8;
	[tilespmem:$0x148C0] =	vst v63  }
0x43: {  	s16 =	rddreg [dreg:$0x7]  }
0x44: {  	[tilespmem:s23], [sflag:$0xB] =	stream.linear.gather [hbm4b:s16+s3], $0x80, $0x38;
	[tilespmem:$0x148C0] =	vst v63  }
0x45: {  	_ =	swait.ge [sflag:s18], $0x80  }
0x46: {  	[sflag:s18] =	ssyncset.done $0x0  }
0x47: {  	[sflag:s18] =	ssyncadd.s32 $0xFFFFFF80  }
0x48: {  	[tilespmem:s24], [sflag:$0x3] =	stream.indirect.gather [spmem:s2], $0x80, s23, s19, $0xb8;
	[tilespmem:$0x148C0] =	vst v63  }
0x49: {  	s15 =	rddreg [dreg:$0x8]  }
0x4a: {  	[tilespmem:s25], [sflag:$0xB] =	stream.linear.gather [hbm4b:s15+s3], $0x80, $0x38;
	[tilespmem:$0x148C0] =	vst v63  }
0x4b: {  	_ =	swait.ge [sflag:s18], $0x80  }
0x4c: {  	[sflag:s18] =	ssyncset.done $0x0  }
0x4d: {  	[sflag:s18] =	ssyncadd.s32 $0xFFFFFF80  }
0x4e: {  	[tilespmem:s26], [sflag:$0x4] =	stream.indirect.gather [spmem:s2], $0x80, s25, s19, $0xb8;
	[tilespmem:$0x148C0] =	vst v63  }
0x4f: {  	s16 =	rddreg [dreg:$0x9]  }
0x50: {  	[tilespmem:s28], [sflag:$0xB] =	stream.linear.gather [hbm4b:s16+s3], $0x80, $0x38;
	[tilespmem:$0x148C0] =	vst v63  }
0x51: {  	_ =	swait.ge [sflag:s18], $0x80  }
0x52: {  	[sflag:s18] =	ssyncset.done $0x0  }
0x53: {  	s15 =	simm.s32 $0x0;
	s16 =	rddreg [dreg:$0xc];
	[sflag:s18] =	ssyncadd.s32 $0xFFFFFF80  }
0x54: {  	[tilespmem:s29], [sflag:$0x5] =	stream.indirect.gather [spmem:s2], $0x80, s28, s19, $0xb8;
	[tilespmem:$0x148C0] =	vst v63  }
.LBB2_2:
0x55: {  	_ =	swait.ge [sflag:s30], $0x4000  }
0x56: {  	[sflag:s30] =	ssyncset.done $0x0  }
0x57: {  	s10 =	sadd.s32 $0xFFFFE000, s16;
	[sflag:s30] =	ssyncadd.s32 $0xFFFFC000  }
0x58: {  	[hbm4b:s10+s3] =	stream.linear.scatter [tilespmem:s20], [sflag:$0x6], $0x4000, $0x38;
	[tilespmem:$0x148C0] =	vst v63  }
0x59: {  	_ =	swait.ge [sflag:s31], $0x4000  }
0x5a: {  	[sflag:s31] =	ssyncset.done $0x0  }
0x5b: {  	s10 =	sadd.s32 $0xFFFFE800, s16;
	[sflag:s31] =	ssyncadd.s32 $0xFFFFC000  }
0x5c: {  	[hbm4b:s10+s3] =	stream.linear.scatter [tilespmem:s22], [sflag:$0x7], $0x4000, $0x38;
	[tilespmem:$0x148C0] =	vst v63  }
0x5d: {  	_ =	swait.ge [sflag:s1], $0x4000  }
0x5e: {  	[sflag:s1] =	ssyncset.done $0x0  }
0x5f: {  	s10 =	sadd.s32 $0xFFFFF000, s16;
	[sflag:s1] =	ssyncadd.s32 $0xFFFFC000  }
0x60: {  	[hbm4b:s10+s3] =	stream.linear.scatter [tilespmem:s24], [sflag:$0x8], $0x4000, $0x38;
	[tilespmem:$0x148C0] =	vst v63  }
0x61: {  	_ =	swait.ge [sflag:s0], $0x4000  }
0x62: {  	[sflag:s0] =	ssyncset.done $0x0  }
0x63: {  	s10 =	sadd.s32 $0xFFFFF800, s16;
	[sflag:s0] =	ssyncadd.s32 $0xFFFFC000  }
0x64: {  	[hbm4b:s10+s3] =	stream.linear.scatter [tilespmem:s26], [sflag:$0x9], $0x4000, $0x38;
	[tilespmem:$0x148C0] =	vst v63  }
0x65: {  	_ =	swait.ge [sflag:s5], $0x4000  }
0x66: {  	p1 =	seq.s32 s15, $0x31B0;
	[sflag:s5] =	ssyncset.done $0x0  }
.Ltmp2:
0x67: {  	[sflag:s5] =	ssyncadd.s32 $0xFFFFC000;
	(pc) =	sbr.rel @p1 .LBB2_4-.Ltmp2, $4  }
0x68: {  	[hbm4b:s16+s3] =	stream.linear.scatter [tilespmem:s29], [sflag:$0xA], $0x4000, $0x38;
	[tilespmem:$0x148C0] =	vst v63  }
0x69: {  	_ =	swait.ge [sflag:s6], $0x4000  }
0x6a: {  	[sflag:s6] =	ssyncset.done $0x0  }
0x6b: {  	[sflag:s6] =	ssyncadd.s32 $0xFFFFC000  }
0x6c: {  	s10 =	sadd.s32 s15, s14  }
0x6d: {  	[tilespmem:s17], [sflag:$0xB] =	stream.linear.gather [hbm4b:s10+s3], $0x80, $0x38;
	[tilespmem:$0x148C0] =	vst v63  }
0x6e: {  	_ =	swait.ge [sflag:s18], $0x80  }
0x6f: {  	[sflag:s18] =	ssyncset.done $0x0  }
0x70: {  	[sflag:s18] =	ssyncadd.s32 $0xFFFFFF80  }
0x71: {  	[tilespmem:s20], [sflag:$0x1] =	stream.indirect.gather [spmem:s2], $0x80, s17, s19, $0xb8;
	[tilespmem:$0x148C0] =	vst v63  }
0x72: {  	_ =	swait.ge [sflag:s7], $0x4000  }
0x73: {  	[sflag:s7] =	ssyncset.done $0x0  }
0x74: {  	s10 =	sadd.s32 s15, s13;
	[sflag:s7] =	ssyncadd.s32 $0xFFFFC000  }
0x75: {  	[tilespmem:s21], [sflag:$0xB] =	stream.linear.gather [hbm4b:s10+s3], $0x80, $0x38;
	[tilespmem:$0x148C0] =	vst v63  }
0x76: {  	_ =	swait.ge [sflag:s18], $0x80  }
0x77: {  	[sflag:s18] =	ssyncset.done $0x0  }
0x78: {  	[sflag:s18] =	ssyncadd.s32 $0xFFFFFF80  }
0x79: {  	[tilespmem:s22], [sflag:$0x2] =	stream.indirect.gather [spmem:s2], $0x80, s21, s19, $0xb8;
	[tilespmem:$0x148C0] =	vst v63  }
0x7a: {  	_ =	swait.ge [sflag:s8], $0x4000  }
0x7b: {  	[sflag:s8] =	ssyncset.done $0x0  }
0x7c: {  	s10 =	sadd.s32 s15, s12;
	[sflag:s8] =	ssyncadd.s32 $0xFFFFC000  }
0x7d: {  	[tilespmem:s23], [sflag:$0xB] =	stream.linear.gather [hbm4b:s10+s3], $0x80, $0x38;
	[tilespmem:$0x148C0] =	vst v63  }
0x7e: {  	_ =	swait.ge [sflag:s18], $0x80  }
0x7f: {  	[sflag:s18] =	ssyncset.done $0x0  }
0x80: {  	[sflag:s18] =	ssyncadd.s32 $0xFFFFFF80  }
0x81: {  	[tilespmem:s24], [sflag:$0x3] =	stream.indirect.gather [spmem:s2], $0x80, s23, s19, $0xb8;
	[tilespmem:$0x148C0] =	vst v63  }
0x82: {  	_ =	swait.ge [sflag:s9], $0x4000  }
0x83: {  	[sflag:s9] =	ssyncset.done $0x0  }
0x84: {  	s10 =	sadd.s32 s15, s11;
	[sflag:s9] =	ssyncadd.s32 $0xFFFFC000  }
0x85: {  	[tilespmem:s25], [sflag:$0xB] =	stream.linear.gather [hbm4b:s10+s3], $0x80, $0x38;
	[tilespmem:$0x148C0] =	vst v63  }
0x86: {  	_ =	swait.ge [sflag:s18], $0x80  }
0x87: {  	[sflag:s18] =	ssyncset.done $0x0  }
0x88: {  	[sflag:s18] =	ssyncadd.s32 $0xFFFFFF80  }
0x89: {  	[tilespmem:s26], [sflag:$0x4] =	stream.indirect.gather [spmem:s2], $0x80, s25, s19, $0xb8;
	[tilespmem:$0x148C0] =	vst v63  }
0x8a: {  	_ =	swait.ge [sflag:s4], $0x4000  }
0x8b: {  	[sflag:s4] =	ssyncset.done $0x0;
	s10 =	rddreg [dreg:$0xb]  }
0x8c: {  	[sflag:s4] =	ssyncadd.s32 $0xFFFFC000;
	s10 =	sadd.s32 s15, s10  }
0x8d: {  	[tilespmem:s28], [sflag:$0xB] =	stream.linear.gather [hbm4b:s10+s3], $0x80, $0x38;
	[tilespmem:$0x148C0] =	vst v63  }
.Ltmp3:
0x8e: {  	_ = 	snop;
	(pc) =	sbr.rel .LBB2_2-.Ltmp3, $4  }
0x8f: {  	_ =	swait.ge [sflag:s18], $0x80  }
0x90: {  	[sflag:s18] =	ssyncset.done $0x0  }
0x91: {  	s16 =	sadd.s32 $0x2800, s16;
	s15 =	sadd.s32 $0x50, s15;
	[sflag:s18] =	ssyncadd.s32 $0xFFFFFF80  }
0x92: {  	[tilespmem:s29], [sflag:$0x5] =	stream.indirect.gather [spmem:s2], $0x80, s28, s19, $0xb8;
	[tilespmem:$0x148C0] =	vst v63  }
.LBB2_5:
0x93: {  	_ =	sfence.sel $0x180000  }
0x94: {  	[bflag:$0x0] =	sbarrier.arrive $0xFFFF  }
0x95: {  	_ =	strace $0x90000047  }
0x96: {  	[bflag:$0x2] =	sbarrier.arrive $0xFFFF  }
0x97: {  	s0 =	rddreg [dreg:$0x4]  }
0x98: {  	s0 =	sadd.s32 @!p0 $0x100000, s0  }
0x99: {  	[sflag:s0] =	ssyncadd.tile.s32 @!p0 $0x1;
	_ =	shalt  }
.Lfunc_end2:
_tile_overlayer_lowered:
.L_overlay_start_2:
0x9a: {  	(tag) =	ssettag $0x2  }
0x9b: {  	s0 =	rddreg [dreg:$0x0];
	s2 =	stileid.u32  }
0x9c: {  	s1 =	rddreg [dreg:$0x1];
	p0 =	sne.s32 s2, $0x0  }
0x9d: {  	s3 =	rddreg [dreg:$0x2];
	[bflag:$0x3] =	sbarrier.arrive $0xFFFF;
	s2 =	simm.s32 @!p0 $0x1C0B  }
0x9e: {  	[timem:s3], [sflag:s2] =	dma.local @!p0 [hbm:s0], s1  }
0x9f: {  	s0 =	simm.s32 @!p0 $0xB  }
0xa0: {  	_ =	swait.ge @!p0 [sflag:s0], s1  }
0xa1: {  	s1 =	ssub.s32 @!p0 $0x0, s1;
	[sflag:s0] =	ssyncset.done @!p0 $0x0  }
0xa2: {  	[sflag:s0] =	ssyncadd.s32 @!p0 s1  }
0xa3: {  	[bflag:$0x3] =	sbarrier.arrive $0xFFFF  }
0xa4: {  	_ =	shalt  }

</sc_bundles>
